<compile_context>
chip_gen: v7x
topology: tpu7x:2x2x1
jax: 0.10.2.dev20260603
libtpu: 0.0.44.dev20260713+nightly
codegen_flags: <defaults>
</compile_context>

<pallas_src>
import functools
import math

import jax
import jax.numpy as jnp
from jax import lax
from jax.experimental import pallas as pl
from jax.experimental.pallas import tpu as pltpu
from jax.experimental.pallas import tpu_sc as plsc

PAD = 0
V = 32000
EPS = 0.1 / (V - 2)
CONF = 0.9
C_CONST = 0.1 * math.log(EPS) + CONF * math.log(CONF)

NC, NS, LANES = 2, 16, 16
NW = NC * NS
N_ROWS = 2048
ROWS_PER_TILE = N_ROWS // NW

BR, BC = 128, 32000
GR, GC = N_ROWS // BR, V // BC


def _sc_gather_body(inp_hbm, lab_hbm, out_hbm,
                    lab_v, idx_t, idx_0, val_t, val_0, out_v, sem):
    c = lax.axis_index("c")
    s = lax.axis_index("s")
    wid = s * NC + c
    base = wid * ROWS_PER_TILE
    pltpu.sync_copy(lab_hbm.at[pl.ds(base, ROWS_PER_TILE)], lab_v)
    for k in range(ROWS_PER_TILE // LANES):
        lab = lab_v[pl.ds(k * LANES, LANES)]
        row = base + k * LANES + lax.iota(jnp.int32, LANES)
        idx_t[pl.ds(k * LANES, LANES)] = row * V + lab
        idx_0[pl.ds(k * LANES, LANES)] = row * V
    cp_t = pltpu.async_copy(inp_hbm.at[idx_t], val_t, sem)
    cp_0 = pltpu.async_copy(inp_hbm.at[idx_0], val_0, sem)
    cp_t.wait()
    cp_0.wait()
    acc = jnp.zeros((LANES,), jnp.float32)
    for k in range(ROWS_PER_TILE // LANES):
        lab = lab_v[pl.ds(k * LANES, LANES)]
        xt = val_t[pl.ds(k * LANES, LANES)]
        x0 = val_0[pl.ds(k * LANES, LANES)]
        contrib = C_CONST + EPS * x0 - (CONF - EPS) * xt
        acc = acc + jnp.where(lab != PAD, contrib, 0.0)
    for k in range(128 // LANES):
        out_v[pl.ds(k * LANES, LANES)] = jnp.zeros((LANES,), jnp.float32)
    out_v[pl.ds(0, LANES)] = acc
    pltpu.sync_copy(out_v, out_hbm.at[wid])


def _tc_body(x_ref, lab_ref, scp_ref, out_ref):
    r = pl.program_id(0)
    c = pl.program_id(1)
    partial = jnp.sum(x_ref[...], axis=1)
    lab = lab_ref[0, 0, :]
    masked = jnp.where(lab != PAD, partial, 0.0)
    val = -EPS * jnp.sum(masked)

    @pl.when((r == 0) & (c == 0))
    def _init():
        out_ref[0, 0] = jnp.sum(scp_ref[...])

    out_ref[0, 0] += val


def kernel(inputs, labels):
    lab_flat = labels.reshape(-1).astype(jnp.int32)
    x_flat = inputs.reshape(N_ROWS * V)

    sc_call = functools.partial(
        pl.kernel,
        mesh=plsc.VectorSubcoreMesh(core_axis_name="c", subcore_axis_name="s"),
        out_type=jax.ShapeDtypeStruct((NW, 128), jnp.float32),
        scratch_types=[
            pltpu.VMEM((ROWS_PER_TILE,), jnp.int32),
            pltpu.VMEM((ROWS_PER_TILE,), jnp.int32),
            pltpu.VMEM((ROWS_PER_TILE,), jnp.int32),
            pltpu.VMEM((ROWS_PER_TILE,), jnp.float32),
            pltpu.VMEM((ROWS_PER_TILE,), jnp.float32),
            pltpu.VMEM((128,), jnp.float32),
            pltpu.SemaphoreType.DMA,
        ],
    )(_sc_gather_body)
    scp = sc_call(x_flat, lab_flat)

    x2d = inputs.reshape(N_ROWS, V)
    lab3 = lab_flat.reshape(GR, 1, BR)
    out = pl.pallas_call(
        _tc_body,
        grid=(GR, GC),
        in_specs=[
            pl.BlockSpec((BR, BC), lambda r, c: (r, c)),
            pl.BlockSpec((1, 1, BR), lambda r, c: (r, 0, 0)),
            pl.BlockSpec((NW, 128), lambda r, c: (0, 0)),
        ],
        out_specs=pl.BlockSpec((1, 1), lambda r, c: (0, 0),
                               memory_space=pltpu.SMEM),
        out_shape=jax.ShapeDtypeStruct((1, 1), jnp.float32),
        compiler_params=pltpu.CompilerParams(
            dimension_semantics=("arbitrary", "arbitrary")),
    )(x2d, lab3, scp)
    return out[0, 0]

# --- scband reference (transcript-rebuilt; emitter-appended) ---
"""Pipeline reference for scband-nmtcriterion-841813590098 (READ-ONLY COPY).

The authoritative reference and input builder live on the scoring server;
editing this copy changes nothing except your own understanding.
"""

import jax, jax.numpy as jnp
import numpy as np

PADDING_IDX = 0
LABEL_SMOOTHING = 0.1
CONFIDENCE = 1.0 - LABEL_SMOOTHING


def setup_inputs(seed: int = 0) -> dict:
    key = jax.random.key(seed)
    k1, k2 = jax.random.split(key)
    B, T, V = 8, 256, 32000
    inputs = jax.random.normal(k1, (B, T, V), dtype=jnp.float32)
    # make them look like log-probabilities
    inputs = jax.nn.log_softmax(inputs, axis=-1)
    labels = jax.random.randint(k2, (B, T), 0, V, dtype=jnp.int64)
    return {"inputs": inputs, "labels": labels}


def reference(inputs, labels):
    # NMTCriterion.forward(inputs, labels, normalization=1.0, reduce=True)
    batch_size = labels.shape[0]
    V = inputs.shape[-1]
    scores = inputs.reshape(-1, V)            # _bottle
    gtruth = labels.reshape(-1)
    n = gtruth.shape[0]
    # _smooth_label: uniform smoothing mass, zero at padding_idx
    tmp = jnp.full((n, V), LABEL_SMOOTHING / (V - 2), dtype=scores.dtype)
    tmp = tmp.at[:, PADDING_IDX].set(0.0)
    # scatter_(1, tdata, confidence)
    tmp = tmp.at[jnp.arange(n), gtruth].set(CONFIDENCE)
    # index_fill_(0, mask_rows, 0) for padding rows
    pad_mask = (gtruth == PADDING_IDX)
    tmp = jnp.where(pad_mask[:, None], 0.0, tmp)
    # KLDivLoss(reduction='none'): t * (log(t) - x), with 0*log(0) := 0
    kl = jnp.where(tmp > 0, tmp * (jnp.log(jnp.where(tmp > 0, tmp, 1.0)) - scores), 0.0)
    loss = kl.reshape(batch_size, -1).sum(-1)
    # normalization = 1.0, reduce=True
    loss = loss / 1.0
    return loss.sum()

if __name__ == "__main__":
    import jax
    _d = setup_inputs()
    print(jax.jit(kernel)(*tuple(_d.values())))

</pallas_src>

<mosaic_0001>
#map = affine_map<(d0, d1) -> (0)>
#map1 = affine_map<(d0, d1) -> (0, 0)>
module attributes {stable_mosaic.version = 14 : i64} {
  func.func @_sc_gather_body(%arg0: i32, %arg1: i32, %arg2: memref<65536000xf32, #tpu.memory_space<hbm>>, %arg3: memref<2048xi32, #tpu.memory_space<hbm>>, %arg4: memref<32x128xf32, #tpu.memory_space<hbm>>, %arg5: memref<64xi32, #tpu.memory_space<vmem>>, %arg6: memref<64xi32, #tpu.memory_space<vmem>>, %arg7: memref<64xi32, #tpu.memory_space<vmem>>, %arg8: memref<64xf32, #tpu.memory_space<vmem>>, %arg9: memref<64xf32, #tpu.memory_space<vmem>>, %arg10: memref<128xf32, #tpu.memory_space<vmem>>, %arg11: memref<!tpu.dma_semaphore, #tpu.memory_space<semaphore_mem>>) attributes {dimension_semantics = [#tpu.dimension_semantics<core_parallel>, #tpu.dimension_semantics<subcore_parallel>], iteration_bounds = array<i64: 2, 16>, scalar_prefetch = 0 : i64, scratch_operands = 7 : i64, tpu.core_type = #tpu.core_type<sc_vector_subcore>, window_params = [{transform_indices = #map}, {transform_indices = #map}, {transform_indices = #map1}]} {
    %mul3A = arith.constant 2 : i32
    %mul3A_0 = arith.muli %arg1, %mul3A : i32
    %add3A = arith.addi %mul3A_0, %arg0 : i32
    %mul3A_1 = arith.constant 64 : i32
    %mul3A_2 = arith.muli %add3A, %mul3A_1 : i32
    "tpu.region"() ({
      %run_scoped3A = tpu.sem_alloc : memref<!tpu.dma_semaphore, #tpu.memory_space<semaphore_mem>>
      %dma_start3A_251 = tpu.memref_slice %arg3[%mul3A_2] : memref<2048xi32, #tpu.memory_space<hbm>> -> memref<64xi32, #tpu.memory_space<hbm>>
      %dma_start3A_252 = tpu.memref_slice %arg3[%mul3A_2] : memref<2048xi32, #tpu.memory_space<hbm>> -> memref<64xi32, #tpu.memory_space<hbm>>
      tpu.enqueue_dma source(%dma_start3A_252 : memref<64xi32, #tpu.memory_space<hbm>>) target(%arg5 : memref<64xi32, #tpu.memory_space<vmem>>) target_semaphore(%run_scoped3A : memref<!tpu.dma_semaphore, #tpu.memory_space<semaphore_mem>>)
      %dma_wait3A_253 = tpu.memref_slice %arg3[%mul3A_2] : memref<2048xi32, #tpu.memory_space<hbm>> -> memref<64xi32, #tpu.memory_space<hbm>>
      %dma_wait3A_254 = tpu.memref_slice %arg3[%mul3A_2] : memref<2048xi32, #tpu.memory_space<hbm>> -> memref<64xi32, #tpu.memory_space<hbm>>
      tpu.wait_dma2 semaphore(%run_scoped3A : memref<!tpu.dma_semaphore, #tpu.memory_space<semaphore_mem>>) src(%dma_wait3A_254 : memref<64xi32, #tpu.memory_space<hbm>>) dst(%arg5 : memref<64xi32, #tpu.memory_space<vmem>>)
      tpu.yield
    }) : () -> ()
    %get3A = arith.constant 0 : index
    %get3A_3 = tpu.vector_load %arg5[%get3A] {strides = array<i32>} : memref<64xi32, #tpu.memory_space<vmem>>, vector<16xi32>,
    %get3A_4 = vector.shape_cast %get3A_3 : vector<16xi32> to vector<16xi32>
    %add3A_5 = arith.constant 0 : i32
    %add3A_6 = arith.addi %mul3A_2, %add3A_5 : i32
    %iota3A = tpu.iota {dimensions = array<i32: 0>} : vector<16xi32>
    %add3A_7 = vector.broadcast %add3A_6 : i32 to vector<16xi32>
    %add3A_8 = arith.addi %add3A_7, %iota3A : vector<16xi32>
    %mul3A_9 = arith.constant 32000 : i32
    %mul3A_10 = vector.broadcast %mul3A_9 : i32 to vector<16xi32>
    %mul3A_11 = arith.muli %add3A_8, %mul3A_10 : vector<16xi32>
    %add3A_12 = arith.addi %mul3A_11, %get3A_4 : vector<16xi32>
    %swap3A = arith.constant 0 : index
    %swap3A_13 = tpu.vector_load %arg6[%swap3A] {strides = array<i32>} : memref<64xi32, #tpu.memory_space<vmem>>, vector<16xi32>,
    %swap3A_14 = vector.shape_cast %swap3A_13 : vector<16xi32> to vector<16xi32>
    %swap3A_15 = vector.shape_cast %add3A_12 : vector<16xi32> to vector<16xi32>
    tpu.vector_store %arg6[%swap3A], %swap3A_15 {strides = array<i32>} : memref<64xi32, #tpu.memory_space<vmem>>, vector<16xi32>,
    %mul3A_16 = arith.constant 32000 : i32
    %mul3A_17 = vector.broadcast %mul3A_16 : i32 to vector<16xi32>
    %mul3A_18 = arith.muli %add3A_8, %mul3A_17 : vector<16xi32>
    %swap3A_19 = arith.constant 0 : index
    %swap3A_20 = tpu.vector_load %arg7[%swap3A_19] {strides = array<i32>} : memref<64xi32, #tpu.memory_space<vmem>>, vector<16xi32>,
    %swap3A_21 = vector.shape_cast %swap3A_20 : vector<16xi32> to vector<16xi32>
    %swap3A_22 = vector.shape_cast %mul3A_18 : vector<16xi32> to vector<16xi32>
    tpu.vector_store %arg7[%swap3A_19], %swap3A_22 {strides = array<i32>} : memref<64xi32, #tpu.memory_space<vmem>>, vector<16xi32>,
    %get3A_23 = arith.constant 16 : index
    %get3A_24 = tpu.vector_load %arg5[%get3A_23] {strides = array<i32>} : memref<64xi32, #tpu.memory_space<vmem>>, vector<16xi32>,
    %get3A_25 = vector.shape_cast %get3A_24 : vector<16xi32> to vector<16xi32>
    %add3A_26 = arith.constant 16 : i32
    %add3A_27 = arith.addi %mul3A_2, %add3A_26 : i32
    %iota3A_28 = tpu.iota {dimensions = array<i32: 0>} : vector<16xi32>
    %add3A_29 = vector.broadcast %add3A_27 : i32 to vector<16xi32>
    %add3A_30 = arith.addi %add3A_29, %iota3A_28 : vector<16xi32>
    %mul3A_31 = arith.constant 32000 : i32
    %mul3A_32 = vector.broadcast %mul3A_31 : i32 to vector<16xi32>
    %mul3A_33 = arith.muli %add3A_30, %mul3A_32 : vector<16xi32>
    %add3A_34 = arith.addi %mul3A_33, %get3A_25 : vector<16xi32>
    %swap3A_35 = arith.constant 16 : index
    %swap3A_36 = tpu.vector_load %arg6[%swap3A_35] {strides = array<i32>} : memref<64xi32, #tpu.memory_space<vmem>>, vector<16xi32>,
    %swap3A_37 = vector.shape_cast %swap3A_36 : vector<16xi32> to vector<16xi32>
    %swap3A_38 = vector.shape_cast %add3A_34 : vector<16xi32> to vector<16xi32>
    tpu.vector_store %arg6[%swap3A_35], %swap3A_38 {strides = array<i32>} : memref<64xi32, #tpu.memory_space<vmem>>, vector<16xi32>,
    %mul3A_39 = arith.constant 32000 : i32
    %mul3A_40 = vector.broadcast %mul3A_39 : i32 to vector<16xi32>
    %mul3A_41 = arith.muli %add3A_30, %mul3A_40 : vector<16xi32>
    %swap3A_42 = arith.constant 16 : index
    %swap3A_43 = tpu.vector_load %arg7[%swap3A_42] {strides = array<i32>} : memref<64xi32, #tpu.memory_space<vmem>>, vector<16xi32>,
    %swap3A_44 = vector.shape_cast %swap3A_43 : vector<16xi32> to vector<16xi32>
    %swap3A_45 = vector.shape_cast %mul3A_41 : vector<16xi32> to vector<16xi32>
    tpu.vector_store %arg7[%swap3A_42], %swap3A_45 {strides = array<i32>} : memref<64xi32, #tpu.memory_space<vmem>>, vector<16xi32>,
    %get3A_46 = arith.constant 32 : index
    %get3A_47 = tpu.vector_load %arg5[%get3A_46] {strides = array<i32>} : memref<64xi32, #tpu.memory_space<vmem>>, vector<16xi32>,
    %get3A_48 = vector.shape_cast %get3A_47 : vector<16xi32> to vector<16xi32>
    %add3A_49 = arith.constant 32 : i32
    %add3A_50 = arith.addi %mul3A_2, %add3A_49 : i32
    %iota3A_51 = tpu.iota {dimensions = array<i32: 0>} : vector<16xi32>
    %add3A_52 = vector.broadcast %add3A_50 : i32 to vector<16xi32>
    %add3A_53 = arith.addi %add3A_52, %iota3A_51 : vector<16xi32>
    %mul3A_54 = arith.constant 32000 : i32
    %mul3A_55 = vector.broadcast %mul3A_54 : i32 to vector<16xi32>
    %mul3A_56 = arith.muli %add3A_53, %mul3A_55 : vector<16xi32>
    %add3A_57 = arith.addi %mul3A_56, %get3A_48 : vector<16xi32>
    %swap3A_58 = arith.constant 32 : index
    %swap3A_59 = tpu.vector_load %arg6[%swap3A_58] {strides = array<i32>} : memref<64xi32, #tpu.memory_space<vmem>>, vector<16xi32>,
    %swap3A_60 = vector.shape_cast %swap3A_59 : vector<16xi32> to vector<16xi32>
    %swap3A_61 = vector.shape_cast %add3A_57 : vector<16xi32> to vector<16xi32>
    tpu.vector_store %arg6[%swap3A_58], %swap3A_61 {strides = array<i32>} : memref<64xi32, #tpu.memory_space<vmem>>, vector<16xi32>,
    %mul3A_62 = arith.constant 32000 : i32
    %mul3A_63 = vector.broadcast %mul3A_62 : i32 to vector<16xi32>
    %mul3A_64 = arith.muli %add3A_53, %mul3A_63 : vector<16xi32>
    %swap3A_65 = arith.constant 32 : index
    %swap3A_66 = tpu.vector_load %arg7[%swap3A_65] {strides = array<i32>} : memref<64xi32, #tpu.memory_space<vmem>>, vector<16xi32>,
    %swap3A_67 = vector.shape_cast %swap3A_66 : vector<16xi32> to vector<16xi32>
    %swap3A_68 = vector.shape_cast %mul3A_64 : vector<16xi32> to vector<16xi32>
    tpu.vector_store %arg7[%swap3A_65], %swap3A_68 {strides = array<i32>} : memref<64xi32, #tpu.memory_space<vmem>>, vector<16xi32>,
    %get3A_69 = arith.constant 48 : index
    %get3A_70 = tpu.vector_load %arg5[%get3A_69] {strides = array<i32>} : memref<64xi32, #tpu.memory_space<vmem>>, vector<16xi32>,
    %get3A_71 = vector.shape_cast %get3A_70 : vector<16xi32> to vector<16xi32>
    %add3A_72 = arith.constant 48 : i32
    %add3A_73 = arith.addi %mul3A_2, %add3A_72 : i32
    %iota3A_74 = tpu.iota {dimensions = array<i32: 0>} : vector<16xi32>
    %add3A_75 = vector.broadcast %add3A_73 : i32 to vector<16xi32>
    %add3A_76 = arith.addi %add3A_75, %iota3A_74 : vector<16xi32>
    %mul3A_77 = arith.constant 32000 : i32
    %mul3A_78 = vector.broadcast %mul3A_77 : i32 to vector<16xi32>
    %mul3A_79 = arith.muli %add3A_76, %mul3A_78 : vector<16xi32>
    %add3A_80 = arith.addi %mul3A_79, %get3A_71 : vector<16xi32>
    %swap3A_81 = arith.constant 48 : index
    %swap3A_82 = tpu.vector_load %arg6[%swap3A_81] {strides = array<i32>} : memref<64xi32, #tpu.memory_space<vmem>>, vector<16xi32>,
    %swap3A_83 = vector.shape_cast %swap3A_82 : vector<16xi32> to vector<16xi32>
    %swap3A_84 = vector.shape_cast %add3A_80 : vector<16xi32> to vector<16xi32>
    tpu.vector_store %arg6[%swap3A_81], %swap3A_84 {strides = array<i32>} : memref<64xi32, #tpu.memory_space<vmem>>, vector<16xi32>,
    %mul3A_85 = arith.constant 32000 : i32
    %mul3A_86 = vector.broadcast %mul3A_85 : i32 to vector<16xi32>
    %mul3A_87 = arith.muli %add3A_76, %mul3A_86 : vector<16xi32>
    %swap3A_88 = arith.constant 48 : index
    %swap3A_89 = tpu.vector_load %arg7[%swap3A_88] {strides = array<i32>} : memref<64xi32, #tpu.memory_space<vmem>>, vector<16xi32>,
    %swap3A_90 = vector.shape_cast %swap3A_89 : vector<16xi32> to vector<16xi32>
    %swap3A_91 = vector.shape_cast %mul3A_87 : vector<16xi32> to vector<16xi32>
    tpu.vector_store %arg7[%swap3A_88], %swap3A_91 {strides = array<i32>} : memref<64xi32, #tpu.memory_space<vmem>>, vector<16xi32>,
    %dma_start3A = arith.constant 0 : i32
    %dma_start3A_92 = tpu.memref_slice %arg2[%dma_start3A] : memref<65536000xf32, #tpu.memory_space<hbm>> -> memref<65536000xf32, #tpu.memory_space<hbm>>
    tpu.enqueue_indirect_dma source(%dma_start3A_92 : memref<65536000xf32, #tpu.memory_space<hbm>>) target(%arg8 : memref<64xf32, #tpu.memory_space<vmem>>) offsets(%arg6 : memref<64xi32, #tpu.memory_space<vmem>>) semaphore(%arg11 : memref<!tpu.dma_semaphore, #tpu.memory_space<semaphore_mem>>)
    %dma_start3A_93 = arith.constant 0 : i32
    %dma_start3A_94 = tpu.memref_slice %arg2[%dma_start3A_93] : memref<65536000xf32, #tpu.memory_space<hbm>> -> memref<65536000xf32, #tpu.memory_space<hbm>>
    tpu.enqueue_indirect_dma source(%dma_start3A_94 : memref<65536000xf32, #tpu.memory_space<hbm>>) target(%arg9 : memref<64xf32, #tpu.memory_space<vmem>>) offsets(%arg7 : memref<64xi32, #tpu.memory_space<vmem>>) semaphore(%arg11 : memref<!tpu.dma_semaphore, #tpu.memory_space<semaphore_mem>>)
    %dma_wait3A = arith.constant 0 : i32
    %dma_wait3A_95 = tpu.memref_slice %arg2[%dma_wait3A] : memref<65536000xf32, #tpu.memory_space<hbm>> -> memref<65536000xf32, #tpu.memory_space<hbm>>
    tpu.wait_indirect_dma semaphore(%arg11 : memref<!tpu.dma_semaphore, #tpu.memory_space<semaphore_mem>>) src(%dma_wait3A_95 : memref<65536000xf32, #tpu.memory_space<hbm>>) dst(%arg8 : memref<64xf32, #tpu.memory_space<vmem>>)
    %dma_wait3A_96 = arith.constant 0 : i32
    %dma_wait3A_97 = tpu.memref_slice %arg2[%dma_wait3A_96] : memref<65536000xf32, #tpu.memory_space<hbm>> -> memref<65536000xf32, #tpu.memory_space<hbm>>
    tpu.wait_indirect_dma semaphore(%arg11 : memref<!tpu.dma_semaphore, #tpu.memory_space<semaphore_mem>>) src(%dma_wait3A_97 : memref<65536000xf32, #tpu.memory_space<hbm>>) dst(%arg9 : memref<64xf32, #tpu.memory_space<vmem>>)
    %broadcast_in_dim3A = arith.constant 0.000000e+00 : f32
    %broadcast_in_dim3A_98 = vector.broadcast %broadcast_in_dim3A : f32 to vector<16xf32>
    %get3A_99 = arith.constant 0 : index
    %get3A_100 = tpu.vector_load %arg5[%get3A_99] {strides = array<i32>} : memref<64xi32, #tpu.memory_space<vmem>>, vector<16xi32>,
    %get3A_101 = vector.shape_cast %get3A_100 : vector<16xi32> to vector<16xi32>
    %get3A_102 = arith.constant 0 : index
    %get3A_103 = tpu.vector_load %arg8[%get3A_102] {strides = array<i32>} : memref<64xf32, #tpu.memory_space<vmem>>, vector<16xf32>,
    %get3A_104 = vector.shape_cast %get3A_103 : vector<16xf32> to vector<16xf32>
    %get3A_105 = arith.constant 0 : index
    %get3A_106 = tpu.vector_load %arg9[%get3A_105] {strides = array<i32>} : memref<64xf32, #tpu.memory_space<vmem>>, vector<16xf32>,
    %get3A_107 = vector.shape_cast %get3A_106 : vector<16xf32> to vector<16xf32>
    %mul3A_108 = arith.constant 3.12519524E-6 : f32
    %mul3A_109 = vector.broadcast %mul3A_108 : f32 to vector<16xf32>
    %mul3A_110 = arith.mulf %mul3A_109, %get3A_107 : vector<16xf32>
    %add3A_111 = arith.constant -1.3624258 : f32
    %add3A_112 = vector.broadcast %add3A_111 : f32 to vector<16xf32>
    %add3A_113 = arith.addf %add3A_112, %mul3A_110 : vector<16xf32>
    %mul3A_114 = arith.constant 0.899996876 : f32
    %mul3A_115 = vector.broadcast %mul3A_114 : f32 to vector<16xf32>
    %mul3A_116 = arith.mulf %mul3A_115, %get3A_104 : vector<16xf32>
    %sub3A = arith.subf %add3A_113, %mul3A_116 : vector<16xf32>
    %ne3A = arith.constant 0 : i32
    %ne3A_117 = vector.broadcast %ne3A : i32 to vector<16xi32>
    %ne3A_118 = arith.cmpi ne, %get3A_101, %ne3A_117 : vector<16xi32>
    %jit3A = arith.constant 0.000000e+00 : f32
    %broadcast_in_dim3A_119 = vector.broadcast %jit3A : f32 to vector<16xf32>
    %select_n3A = arith.select %ne3A_118, %sub3A, %broadcast_in_dim3A_119 : vector<16xi1>, vector<16xf32>
    %add3A_120 = arith.addf %broadcast_in_dim3A_98, %select_n3A : vector<16xf32>
    %get3A_121 = arith.constant 16 : index
    %get3A_122 = tpu.vector_load %arg5[%get3A_121] {strides = array<i32>} : memref<64xi32, #tpu.memory_space<vmem>>, vector<16xi32>,
    %get3A_123 = vector.shape_cast %get3A_122 : vector<16xi32> to vector<16xi32>
    %get3A_124 = arith.constant 16 : index
    %get3A_125 = tpu.vector_load %arg8[%get3A_124] {strides = array<i32>} : memref<64xf32, #tpu.memory_space<vmem>>, vector<16xf32>,
    %get3A_126 = vector.shape_cast %get3A_125 : vector<16xf32> to vector<16xf32>
    %get3A_127 = arith.constant 16 : index
    %get3A_128 = tpu.vector_load %arg9[%get3A_127] {strides = array<i32>} : memref<64xf32, #tpu.memory_space<vmem>>, vector<16xf32>,
    %get3A_129 = vector.shape_cast %get3A_128 : vector<16xf32> to vector<16xf32>
    %mul3A_130 = arith.constant 3.12519524E-6 : f32
    %mul3A_131 = vector.broadcast %mul3A_130 : f32 to vector<16xf32>
    %mul3A_132 = arith.mulf %mul3A_131, %get3A_129 : vector<16xf32>
    %add3A_133 = arith.constant -1.3624258 : f32
    %add3A_134 = vector.broadcast %add3A_133 : f32 to vector<16xf32>
    %add3A_135 = arith.addf %add3A_134, %mul3A_132 : vector<16xf32>
    %mul3A_136 = arith.constant 0.899996876 : f32
    %mul3A_137 = vector.broadcast %mul3A_136 : f32 to vector<16xf32>
    %mul3A_138 = arith.mulf %mul3A_137, %get3A_126 : vector<16xf32>
    %sub3A_139 = arith.subf %add3A_135, %mul3A_138 : vector<16xf32>
    %ne3A_140 = arith.constant 0 : i32
    %ne3A_141 = vector.broadcast %ne3A_140 : i32 to vector<16xi32>
    %ne3A_142 = arith.cmpi ne, %get3A_123, %ne3A_141 : vector<16xi32>
    %jit3A_143 = arith.constant 0.000000e+00 : f32
    %broadcast_in_dim3A_144 = vector.broadcast %jit3A_143 : f32 to vector<16xf32>
    %select_n3A_145 = arith.select %ne3A_142, %sub3A_139, %broadcast_in_dim3A_144 : vector<16xi1>, vector<16xf32>
    %add3A_146 = arith.addf %add3A_120, %select_n3A_145 : vector<16xf32>
    %get3A_147 = arith.constant 32 : index
    %get3A_148 = tpu.vector_load %arg5[%get3A_147] {strides = array<i32>} : memref<64xi32, #tpu.memory_space<vmem>>, vector<16xi32>,
    %get3A_149 = vector.shape_cast %get3A_148 : vector<16xi32> to vector<16xi32>
    %get3A_150 = arith.constant 32 : index
    %get3A_151 = tpu.vector_load %arg8[%get3A_150] {strides = array<i32>} : memref<64xf32, #tpu.memory_space<vmem>>, vector<16xf32>,
    %get3A_152 = vector.shape_cast %get3A_151 : vector<16xf32> to vector<16xf32>
    %get3A_153 = arith.constant 32 : index
    %get3A_154 = tpu.vector_load %arg9[%get3A_153] {strides = array<i32>} : memref<64xf32, #tpu.memory_space<vmem>>, vector<16xf32>,
    %get3A_155 = vector.shape_cast %get3A_154 : vector<16xf32> to vector<16xf32>
    %mul3A_156 = arith.constant 3.12519524E-6 : f32
    %mul3A_157 = vector.broadcast %mul3A_156 : f32 to vector<16xf32>
    %mul3A_158 = arith.mulf %mul3A_157, %get3A_155 : vector<16xf32>
    %add3A_159 = arith.constant -1.3624258 : f32
    %add3A_160 = vector.broadcast %add3A_159 : f32 to vector<16xf32>
    %add3A_161 = arith.addf %add3A_160, %mul3A_158 : vector<16xf32>
    %mul3A_162 = arith.constant 0.899996876 : f32
    %mul3A_163 = vector.broadcast %mul3A_162 : f32 to vector<16xf32>
    %mul3A_164 = arith.mulf %mul3A_163, %get3A_152 : vector<16xf32>
    %sub3A_165 = arith.subf %add3A_161, %mul3A_164 : vector<16xf32>
    %ne3A_166 = arith.constant 0 : i32
    %ne3A_167 = vector.broadcast %ne3A_166 : i32 to vector<16xi32>
    %ne3A_168 = arith.cmpi ne, %get3A_149, %ne3A_167 : vector<16xi32>
    %jit3A_169 = arith.constant 0.000000e+00 : f32
    %broadcast_in_dim3A_170 = vector.broadcast %jit3A_169 : f32 to vector<16xf32>
    %select_n3A_171 = arith.select %ne3A_168, %sub3A_165, %broadcast_in_dim3A_170 : vector<16xi1>, vector<16xf32>
    %add3A_172 = arith.addf %add3A_146, %select_n3A_171 : vector<16xf32>
    %get3A_173 = arith.constant 48 : index
    %get3A_174 = tpu.vector_load %arg5[%get3A_173] {strides = array<i32>} : memref<64xi32, #tpu.memory_space<vmem>>, vector<16xi32>,
    %get3A_175 = vector.shape_cast %get3A_174 : vector<16xi32> to vector<16xi32>
    %get3A_176 = arith.constant 48 : index
    %get3A_177 = tpu.vector_load %arg8[%get3A_176] {strides = array<i32>} : memref<64xf32, #tpu.memory_space<vmem>>, vector<16xf32>,
    %get3A_178 = vector.shape_cast %get3A_177 : vector<16xf32> to vector<16xf32>
    %get3A_179 = arith.constant 48 : index
    %get3A_180 = tpu.vector_load %arg9[%get3A_179] {strides = array<i32>} : memref<64xf32, #tpu.memory_space<vmem>>, vector<16xf32>,
    %get3A_181 = vector.shape_cast %get3A_180 : vector<16xf32> to vector<16xf32>
    %mul3A_182 = arith.constant 3.12519524E-6 : f32
    %mul3A_183 = vector.broadcast %mul3A_182 : f32 to vector<16xf32>
    %mul3A_184 = arith.mulf %mul3A_183, %get3A_181 : vector<16xf32>
    %add3A_185 = arith.constant -1.3624258 : f32
    %add3A_186 = vector.broadcast %add3A_185 : f32 to vector<16xf32>
    %add3A_187 = arith.addf %add3A_186, %mul3A_184 : vector<16xf32>
    %mul3A_188 = arith.constant 0.899996876 : f32
    %mul3A_189 = vector.broadcast %mul3A_188 : f32 to vector<16xf32>
    %mul3A_190 = arith.mulf %mul3A_189, %get3A_178 : vector<16xf32>
    %sub3A_191 = arith.subf %add3A_187, %mul3A_190 : vector<16xf32>
    %ne3A_192 = arith.constant 0 : i32
    %ne3A_193 = vector.broadcast %ne3A_192 : i32 to vector<16xi32>
    %ne3A_194 = arith.cmpi ne, %get3A_175, %ne3A_193 : vector<16xi32>
    %jit3A_195 = arith.constant 0.000000e+00 : f32
    %broadcast_in_dim3A_196 = vector.broadcast %jit3A_195 : f32 to vector<16xf32>
    %select_n3A_197 = arith.select %ne3A_194, %sub3A_191, %broadcast_in_dim3A_196 : vector<16xi1>, vector<16xf32>
    %add3A_198 = arith.addf %add3A_172, %select_n3A_197 : vector<16xf32>
    %broadcast_in_dim3A_199 = arith.constant 0.000000e+00 : f32
    %broadcast_in_dim3A_200 = vector.broadcast %broadcast_in_dim3A_199 : f32 to vector<16xf32>
    %swap3A_201 = arith.constant 0 : index
    %swap3A_202 = tpu.vector_load %arg10[%swap3A_201] {strides = array<i32>} : memref<128xf32, #tpu.memory_space<vmem>>, vector<16xf32>,
    %swap3A_203 = vector.shape_cast %swap3A_202 : vector<16xf32> to vector<16xf32>
    %swap3A_204 = vector.shape_cast %broadcast_in_dim3A_200 : vector<16xf32> to vector<16xf32>
    tpu.vector_store %arg10[%swap3A_201], %swap3A_204 {strides = array<i32>} : memref<128xf32, #tpu.memory_space<vmem>>, vector<16xf32>,
    %broadcast_in_dim3A_205 = arith.constant 0.000000e+00 : f32
    %broadcast_in_dim3A_206 = vector.broadcast %broadcast_in_dim3A_205 : f32 to vector<16xf32>
    %swap3A_207 = arith.constant 16 : index
    %swap3A_208 = tpu.vector_load %arg10[%swap3A_207] {strides = array<i32>} : memref<128xf32, #tpu.memory_space<vmem>>, vector<16xf32>,
    %swap3A_209 = vector.shape_cast %swap3A_208 : vector<16xf32> to vector<16xf32>
    %swap3A_210 = vector.shape_cast %broadcast_in_dim3A_206 : vector<16xf32> to vector<16xf32>
    tpu.vector_store %arg10[%swap3A_207], %swap3A_210 {strides = array<i32>} : memref<128xf32, #tpu.memory_space<vmem>>, vector<16xf32>,
    %broadcast_in_dim3A_211 = arith.constant 0.000000e+00 : f32
    %broadcast_in_dim3A_212 = vector.broadcast %broadcast_in_dim3A_211 : f32 to vector<16xf32>
    %swap3A_213 = arith.constant 32 : index
    %swap3A_214 = tpu.vector_load %arg10[%swap3A_213] {strides = array<i32>} : memref<128xf32, #tpu.memory_space<vmem>>, vector<16xf32>,
    %swap3A_215 = vector.shape_cast %swap3A_214 : vector<16xf32> to vector<16xf32>
    %swap3A_216 = vector.shape_cast %broadcast_in_dim3A_212 : vector<16xf32> to vector<16xf32>
    tpu.vector_store %arg10[%swap3A_213], %swap3A_216 {strides = array<i32>} : memref<128xf32, #tpu.memory_space<vmem>>, vector<16xf32>,
    %broadcast_in_dim3A_217 = arith.constant 0.000000e+00 : f32
    %broadcast_in_dim3A_218 = vector.broadcast %broadcast_in_dim3A_217 : f32 to vector<16xf32>
    %swap3A_219 = arith.constant 48 : index
    %swap3A_220 = tpu.vector_load %arg10[%swap3A_219] {strides = array<i32>} : memref<128xf32, #tpu.memory_space<vmem>>, vector<16xf32>,
    %swap3A_221 = vector.shape_cast %swap3A_220 : vector<16xf32> to vector<16xf32>
    %swap3A_222 = vector.shape_cast %broadcast_in_dim3A_218 : vector<16xf32> to vector<16xf32>
    tpu.vector_store %arg10[%swap3A_219], %swap3A_222 {strides = array<i32>} : memref<128xf32, #tpu.memory_space<vmem>>, vector<16xf32>,
    %broadcast_in_dim3A_223 = arith.constant 0.000000e+00 : f32
    %broadcast_in_dim3A_224 = vector.broadcast %broadcast_in_dim3A_223 : f32 to vector<16xf32>
    %swap3A_225 = arith.constant 64 : index
    %swap3A_226 = tpu.vector_load %arg10[%swap3A_225] {strides = array<i32>} : memref<128xf32, #tpu.memory_space<vmem>>, vector<16xf32>,
    %swap3A_227 = vector.shape_cast %swap3A_226 : vector<16xf32> to vector<16xf32>
    %swap3A_228 = vector.shape_cast %broadcast_in_dim3A_224 : vector<16xf32> to vector<16xf32>
    tpu.vector_store %arg10[%swap3A_225], %swap3A_228 {strides = array<i32>} : memref<128xf32, #tpu.memory_space<vmem>>, vector<16xf32>,
    %broadcast_in_dim3A_229 = arith.constant 0.000000e+00 : f32
    %broadcast_in_dim3A_230 = vector.broadcast %broadcast_in_dim3A_229 : f32 to vector<16xf32>
    %swap3A_231 = arith.constant 80 : index
    %swap3A_232 = tpu.vector_load %arg10[%swap3A_231] {strides = array<i32>} : memref<128xf32, #tpu.memory_space<vmem>>, vector<16xf32>,
    %swap3A_233 = vector.shape_cast %swap3A_232 : vector<16xf32> to vector<16xf32>
    %swap3A_234 = vector.shape_cast %broadcast_in_dim3A_230 : vector<16xf32> to vector<16xf32>
    tpu.vector_store %arg10[%swap3A_231], %swap3A_234 {strides = array<i32>} : memref<128xf32, #tpu.memory_space<vmem>>, vector<16xf32>,
    %broadcast_in_dim3A_235 = arith.constant 0.000000e+00 : f32
    %broadcast_in_dim3A_236 = vector.broadcast %broadcast_in_dim3A_235 : f32 to vector<16xf32>
    %swap3A_237 = arith.constant 96 : index
    %swap3A_238 = tpu.vector_load %arg10[%swap3A_237] {strides = array<i32>} : memref<128xf32, #tpu.memory_space<vmem>>, vector<16xf32>,
    %swap3A_239 = vector.shape_cast %swap3A_238 : vector<16xf32> to vector<16xf32>
    %swap3A_240 = vector.shape_cast %broadcast_in_dim3A_236 : vector<16xf32> to vector<16xf32>
    tpu.vector_store %arg10[%swap3A_237], %swap3A_240 {strides = array<i32>} : memref<128xf32, #tpu.memory_space<vmem>>, vector<16xf32>,
    %broadcast_in_dim3A_241 = arith.constant 0.000000e+00 : f32
    %broadcast_in_dim3A_242 = vector.broadcast %broadcast_in_dim3A_241 : f32 to vector<16xf32>
    %swap3A_243 = arith.constant 112 : index
    %swap3A_244 = tpu.vector_load %arg10[%swap3A_243] {strides = array<i32>} : memref<128xf32, #tpu.memory_space<vmem>>, vector<16xf32>,
    %swap3A_245 = vector.shape_cast %swap3A_244 : vector<16xf32> to vector<16xf32>
    %swap3A_246 = vector.shape_cast %broadcast_in_dim3A_242 : vector<16xf32> to vector<16xf32>
    tpu.vector_store %arg10[%swap3A_243], %swap3A_246 {strides = array<i32>} : memref<128xf32, #tpu.memory_space<vmem>>, vector<16xf32>,
    %swap3A_247 = arith.constant 0 : index
    %swap3A_248 = tpu.vector_load %arg10[%swap3A_247] {strides = array<i32>} : memref<128xf32, #tpu.memory_space<vmem>>, vector<16xf32>,
    %swap3A_249 = vector.shape_cast %swap3A_248 : vector<16xf32> to vector<16xf32>
    %swap3A_250 = vector.shape_cast %add3A_198 : vector<16xf32> to vector<16xf32>
    tpu.vector_store %arg10[%swap3A_247], %swap3A_250 {strides = array<i32>} : memref<128xf32, #tpu.memory_space<vmem>>, vector<16xf32>,
    "tpu.region"() ({
      %run_scoped3A = tpu.sem_alloc : memref<!tpu.dma_semaphore, #tpu.memory_space<semaphore_mem>>
      %dma_start3A_251 = arith.constant 0 : i32
      %dma_start3A_252 = tpu.memref_slice %arg4[%add3A, %dma_start3A_251] : memref<32x128xf32, #tpu.memory_space<hbm>> -> memref<1x128xf32, #tpu.memory_space<hbm>>
      %dma_start3A_253 = tpu.memref_squeeze %dma_start3A_252 : memref<1x128xf32, #tpu.memory_space<hbm>> -> memref<128xf32, #tpu.memory_space<hbm>>
      %dma_start3A_254 = arith.constant 0 : i32
      %dma_start3A_255 = tpu.memref_slice %arg4[%add3A, %dma_start3A_254] : memref<32x128xf32, #tpu.memory_space<hbm>> -> memref<1x128xf32, #tpu.memory_space<hbm>>
      %dma_start3A_256 = tpu.memref_squeeze %dma_start3A_255 : memref<1x128xf32, #tpu.memory_space<hbm>> -> memref<128xf32, #tpu.memory_space<hbm>>
      tpu.enqueue_dma source(%arg10 : memref<128xf32, #tpu.memory_space<vmem>>) target(%dma_start3A_256 : memref<128xf32, #tpu.memory_space<hbm>>) target_semaphore(%run_scoped3A : memref<!tpu.dma_semaphore, #tpu.memory_space<semaphore_mem>>)
      %dma_wait3A_257 = arith.constant 0 : i32
      %dma_wait3A_258 = tpu.memref_slice %arg4[%add3A, %dma_wait3A_257] : memref<32x128xf32, #tpu.memory_space<hbm>> -> memref<1x128xf32, #tpu.memory_space<hbm>>
      %dma_wait3A_259 = tpu.memref_squeeze %dma_wait3A_258 : memref<1x128xf32, #tpu.memory_space<hbm>> -> memref<128xf32, #tpu.memory_space<hbm>>
      %dma_wait3A_260 = arith.constant 0 : i32
      %dma_wait3A_261 = tpu.memref_slice %arg4[%add3A, %dma_wait3A_260] : memref<32x128xf32, #tpu.memory_space<hbm>> -> memref<1x128xf32, #tpu.memory_space<hbm>>
      %dma_wait3A_262 = tpu.memref_squeeze %dma_wait3A_261 : memref<1x128xf32, #tpu.memory_space<hbm>> -> memref<128xf32, #tpu.memory_space<hbm>>
      tpu.wait_dma2 semaphore(%run_scoped3A : memref<!tpu.dma_semaphore, #tpu.memory_space<semaphore_mem>>) src(%arg10 : memref<128xf32, #tpu.memory_space<vmem>>) dst(%dma_wait3A_262 : memref<128xf32, #tpu.memory_space<hbm>>)
      tpu.yield
    }) : () -> ()
    return
  }
}

module attributes {stable_mosaic.version = 14 : i64} {
  func.func @_tc_body(%arg0: i32, %arg1: i32, %arg2: memref<128x32000xf32, #tpu.memory_space<vmem>>, %arg3: memref<1x1x128xi32, #tpu.memory_space<vmem>>, %arg4: memref<32x128xf32, #tpu.memory_space<vmem>>, %arg5: memref<1x1xf32, #tpu.memory_space<smem>>) attributes {dimension_semantics = [#tpu.dimension_semantics<arbitrary>, #tpu.dimension_semantics<arbitrary>], iteration_bounds = array<i64: 16, 1>, scalar_prefetch = 0 : i64, scratch_operands = 0 : i64, tpu.core_type = #tpu.core_type<tc>, window_params = [{transform_indices = @transform_0, window_bounds = array<i64: 128, 32000>}, {transform_indices = @transform_1, window_bounds = array<i64: 1, 1, 128>}, {pipeline_mode = #tpu.pipeline_mode<synchronous>, transform_indices = @transform_2, window_bounds = array<i64: 32, 128>}, {transform_indices = @transform_3, window_bounds = array<i64: 1, 1>}]} {
    %get3A = arith.constant 0 : index
    %get3A_0 = arith.constant 0 : index
    %get3A_1 = vector.load %arg2[%get3A, %get3A_0] : memref<128x32000xf32, #tpu.memory_space<vmem>>, vector<128x32000xf32>
    %reduce_sum3A = arith.constant dense<0.000000e+00> : vector<128xf32>
    %reduce_sum3A_2 = vector.multi_reduction <add>, %get3A_1, %reduce_sum3A [1] : vector<128x32000xf32> to vector<128xf32>
    %get3A_3 = arith.constant 0 : index
    %get3A_4 = arith.constant 0 : index
    %get3A_5 = arith.constant 0 : index
    %get3A_6 = vector.load %arg3[%get3A_3, %get3A_4, %get3A_5] : memref<1x1x128xi32, #tpu.memory_space<vmem>>, vector<1x1x128xi32>
    %get3A_7 = vector.shape_cast %get3A_6 : vector<1x1x128xi32> to vector<128xi32>
    %ne3A = arith.constant 0 : i32
    %ne3A_8 = vector.broadcast %ne3A : i32 to vector<128xi32>
    %ne3A_9 = arith.cmpi ne, %get3A_7, %ne3A_8 : vector<128xi32>
    %jit3A = arith.constant 0.000000e+00 : f32
    %broadcast_in_dim3A = vector.broadcast %jit3A : f32 to vector<128xf32>
    %select_n3A = arith.select %ne3A_9, %reduce_sum3A_2, %broadcast_in_dim3A : vector<128xi1>, vector<128xf32>
    %reduce_sum3A_10 = vector.shape_cast %select_n3A : vector<128xf32> to vector<1x128xf32>
    %reduce_sum3A_11 = arith.constant dense<0.000000e+00> : vector<1xf32>
    %reduce_sum3A_12 = vector.multi_reduction <add>, %reduce_sum3A_10, %reduce_sum3A_11 [1] : vector<1x128xf32> to vector<1xf32>
    %reduce_sum3A_13 = vector.shape_cast %reduce_sum3A_12 : vector<1xf32> to vector<1x1xf32>
    %reduce_sum3A_14 = vector.extract %reduce_sum3A_13[0, 0] : f32 from vector<1x1xf32>
    %mul3A = arith.constant -3.12519524E-6 : f32
    %mul3A_15 = arith.mulf %mul3A, %reduce_sum3A_14 : f32
    %eq3A = arith.constant 0 : i32
    %eq3A_16 = arith.cmpi eq, %arg0, %eq3A : i32
    %eq3A_17 = arith.constant 0 : i32
    %eq3A_18 = arith.cmpi eq, %arg1, %eq3A_17 : i32
    %and3A = arith.andi %eq3A_16, %eq3A_18 : i1
    %convert_element_type3A = arith.extui %and3A : i1 to i32
    %cond3A = arith.constant 0 : i32
    %cond3A_19 = arith.cmpi ne, %convert_element_type3A, %cond3A : i32
    scf.if %cond3A_19 {
      %get3A_25 = arith.constant 0 : index
      %get3A_26 = arith.constant 0 : index
      %get3A_27 = vector.load %arg4[%get3A_25, %get3A_26] : memref<32x128xf32, #tpu.memory_space<vmem>>, vector<32x128xf32>
      %reduce_sum3A_28 = vector.shape_cast %get3A_27 : vector<32x128xf32> to vector<1x32x128xf32>
      %reduce_sum3A_29 = arith.constant dense<0.000000e+00> : vector<1xf32>
      %reduce_sum3A_30 = vector.multi_reduction <add>, %reduce_sum3A_28, %reduce_sum3A_29 [1, 2] : vector<1x32x128xf32> to vector<1xf32>
      %reduce_sum3A_31 = vector.shape_cast %reduce_sum3A_30 : vector<1xf32> to vector<1x1x1xf32>
      %reduce_sum3A_32 = vector.extract %reduce_sum3A_31[0, 0, 0] : f32 from vector<1x1x1xf32>
      %swap3A_33 = arith.constant 0 : index
      %swap3A_34 = arith.constant 0 : index
      %swap3A_35 = memref.load %arg5[%swap3A_33, %swap3A_34] : memref<1x1xf32, #tpu.memory_space<smem>>
      memref.store %reduce_sum3A_32, %arg5[%swap3A_33, %swap3A_34] : memref<1x1xf32, #tpu.memory_space<smem>>
    } else {
    }
    %get3A_20 = arith.constant 0 : index
    %get3A_21 = arith.constant 0 : index
    %get3A_22 = memref.load %arg5[%get3A_20, %get3A_21] : memref<1x1xf32, #tpu.memory_space<smem>>
    %add3A = arith.addf %get3A_22, %mul3A_15 : f32
    %swap3A = arith.constant 0 : index
    %swap3A_23 = arith.constant 0 : index
    %swap3A_24 = memref.load %arg5[%swap3A, %swap3A_23] : memref<1x1xf32, #tpu.memory_space<smem>>
    memref.store %add3A, %arg5[%swap3A, %swap3A_23] : memref<1x1xf32, #tpu.memory_space<smem>>
    return
  }
  func.func @transform_0(%arg0: i32, %arg1: i32) -> (i32, i32) {
    %c0_i32 = arith.constant 0 : i32
    return %arg0, %arg1 : i32, i32
  }
  func.func @transform_1(%arg0: i32, %arg1: i32) -> (i32, i32, i32) {
    %c0_i32 = arith.constant 0 : i32
    %c0_i32_0 = arith.constant 0 : i32
    %c0_i32_1 = arith.constant 0 : i32
    return %arg0, %c0_i32, %c0_i32_0 : i32, i32, i32
  }
  func.func @transform_2(%arg0: i32, %arg1: i32) -> (i32, i32) {
    %c0_i32 = arith.constant 0 : i32
    %c0_i32_0 = arith.constant 0 : i32
    %c0_i32_1 = arith.constant 0 : i32
    return %c0_i32, %c0_i32_0 : i32, i32
  }
  func.func @transform_3(%arg0: i32, %arg1: i32) -> (i32, i32) {
    %c0_i32 = arith.constant 0 : i32
    %c0_i32_0 = arith.constant 0 : i32
    %c0_i32_1 = arith.constant 0 : i32
    return %c0_i32, %c0_i32_0 : i32, i32
  }
}

</mosaic_0001>

<sc_bundles>
// kernel: kernel.4.cloned.1.call-start
scs
__scs_entry_jumppad:
0x0: {  	(pc) =	sbr.rel $0x88, $3  }
0x1: {  	(tag) =	ssettag $0x0;
	lr =	simm.s32 $0x1  }
0x2: {  	[smem:$0x3F9F] =	sst lr;
	_ =	strace $0xD0000000  }
0x3: {  	_ = 	snop  }
0x4: {  	_ = 	snop  }
0x5: {  	_ = 	snop  }
0x6: {  	_ = 	snop  }
0x7: {  	_ = 	snop  }
__scs_overlays_trampoline_lowered:
0x8: {  	[smem:$0x3FAE] =	sst s0  }
0x9: {  	[smem:$0x3FAF] =	sst s1  }
0xa: {  	[smem:$0x3FB0] =	sst s2  }
0xb: {  	[smem:$0x3FB1] =	sst s3  }
0xc: {  	[smem:$0x3FB2] =	sst s4  }
0xd: {  	[smem:$0x3FB3] =	sst s5  }
0xe: {  	[smem:$0x3FB4] =	sst s6  }
0xf: {  	[smem:$0x3FB5] =	sst s7  }
0x10: {  	[smem:$0x3FB6] =	sst s8  }
0x11: {  	[smem:$0x3FB7] =	sst s9;
	s0 =	simm.s32 @!p0 $0x0  }
0x12: {  	s1 =	sld [smem:$0x3F9D];
	s0 =	simm.s32 @p0 $0x1  }
0x13: {  	[smem:$0x3FB8] =	sst s0;
	s0 =	simm.s32 @!p1 $0x0  }
0x14: {  	s2 =	sld [smem:$0x3F9C];
	s0 =	simm.s32 @p1 $0x1  }
0x15: {  	[smem:$0x3FB9] =	sst s0;
	s0 =	simm.s32 @!p2 $0x0  }
0x16: {  	s3 =	sld [smem:$0x3FDB];
	s0 =	simm.s32 @p2 $0x1  }
0x17: {  	s4 =	simm.s32 $0x1BF5;
	[smem:$0x3FBB] =	sst s0  }
0x18: {  	s0 =	sld [smem:$0x3F9E];
	_ =	swait.ge [sflag:s4], $0x0  }
0x19: {  	s7 =	sld [smem:$0x3F9F]  }
0x1a: {  	s8 =	sadd.s32 $0xFFFFE003, lr  }
0x1b: {  	s9 =	sadd.s32 $0xFFFFFEF7, lr;
	s5 =	simm.s32 $0xFFFFFFFF;
	p2 =	slt.u32 s8, $0xFFFFF086  }
0x1c: {  	p1 =	slt.u32 s9, $0xF7A;
	s5 =	simm.s32 @!p2 $0x0  }
0x1d: {  	s5 =	simm.s32 @p1 $0x1;
	p0 =	seq.s32 s7, s2  }
0x1e: {  	s7 =	smul.u32 @!p0 $0xF7A, s2;
	p2 =	seq.s32 @!p0 s5, $0x0  }
0x1f: {  	s9 =	smul.u32 $0xF7A, s1;
	s8 =	simm.s32 @!p0 $0x1BF5;
	p2 =	por !p2, p0  }
0x20: {  	[sflag:s8] =	ssyncset.s32 @!p0 $0xFFFFF086;
	s6 =	sadd.s32 @!p0 s3, s7;
	s7 =	simm.s32 @!p0 $0x108  }
0x21: {  	s3 =	sadd.s32 s3, s9;
	s6 =	sadd.s32 @!p0 $0x88, s6;
	s7 =	simm.s32 @p2 $0x1082  }
0x22: {  	[simem:s7], [sflag:s8] =	dma.local @!p0 [hbm:s6], $0xF7A  }
0x23: {  	s9 =	sor.u32 $0xD0000000, s2;
	s6 =	simm.s32 $0x108;
	_ =	swait.ge @!p0 [sflag:s8], $0x0  }
0x24: {  	s3 =	sadd.s32 $0x88, s3;
	s6 =	simm.s32 @!p1 $0x1082;
	[sflag:s4] =	ssyncset.s32 $0xFFFFF086  }
0x25: {  	[simem:s6], [sflag:s4] =	dma.local [hbm:s3], $0xF7A  }
0x26: {  	[smem:$0x3F9F] =	sst s1;
	(tag) =	ssettag s2;
	_ =	strace s9  }
0x27: {  	s1 =	sld [smem:$0x3FAF]  }
0x28: {  	s2 =	sld [smem:$0x3FB0]  }
0x29: {  	s4 =	sld [smem:$0x3FB2]  }
0x2a: {  	p0 =	seq.s32 s5, $0x0;
	s5 =	sld [smem:$0x3FB3]  }
0x2b: {  	s6 =	sld [smem:$0x3FB4]  }
0x2c: {  	s7 =	sld [smem:$0x3FB5]  }
0x2d: {  	s3 =	simm.s32 $0x108;
	s8 =	sld [smem:$0x3FB6]  }
0x2e: {  	s3 =	simm.s32 @!p0 $0x1082;
	s9 =	sld [smem:$0x3FB7]  }
0x2f: {  	lr =	sadd.s32 s0, s3;
	s0 =	sld [smem:$0x3FAE]  }
0x30: {  	s3 =	sld [smem:$0x3FB1]  }
0x31: {  	[smem:$0x3FBA] =	sst s10  }
0x32: {  	s10 =	sld [smem:$0x3FB8];
	_ =	sdelay $0x3  }
0x33: {  	p0 =	seq.s32 s10, $0x1;
	s10 =	sld [smem:$0x3FBA];
	_ =	sdelay $0x3  }
0x34: {  	[smem:$0x3FBA] =	sst s10  }
0x35: {  	s10 =	sld [smem:$0x3FB9];
	_ =	sdelay $0x3  }
0x36: {  	p1 =	seq.s32 s10, $0x1;
	s10 =	sld [smem:$0x3FBA];
	_ =	sdelay $0x3  }
0x37: {  	[smem:$0x3FBA] =	sst s10  }
0x38: {  	s10 =	sld [smem:$0x3FBB]  }
0x39: {  	_ = 	snop;
	(pc) =	sbr.ind lr, $3  }
0x3a: {  	_ = 	snop  }
0x3b: {  	_ = 	snop  }
0x3c: {  	p2 =	seq.s32 s10, $0x1;
	s10 =	sld [smem:$0x3FBA]  }
0x3d: {  	_ =	shalt  }
0x3e: {  	_ =	shalt  }
0x3f: {  	_ =	shalt  }
0x40: {  	_ =	shalt  }
0x41: {  	_ =	shalt  }
0x42: {  	_ =	shalt  }
0x43: {  	_ =	shalt  }
0x44: {  	_ =	shalt  }
0x45: {  	_ =	shalt  }
0x46: {  	_ =	shalt  }
0x47: {  	_ =	shalt  }
0x48: {  	_ =	shalt  }
0x49: {  	_ =	shalt  }
0x4a: {  	_ =	shalt  }
0x4b: {  	_ =	shalt  }
0x4c: {  	_ =	shalt  }
0x4d: {  	_ =	shalt  }
0x4e: {  	_ =	shalt  }
0x4f: {  	_ =	shalt  }
0x50: {  	_ =	shalt  }
0x51: {  	_ =	shalt  }
0x52: {  	_ =	shalt  }
0x53: {  	_ =	shalt  }
0x54: {  	_ =	shalt  }
0x55: {  	_ =	shalt  }
0x56: {  	_ =	shalt  }
0x57: {  	_ =	shalt  }
0x58: {  	_ =	shalt  }
0x59: {  	_ =	shalt  }
0x5a: {  	_ =	shalt  }
0x5b: {  	_ =	shalt  }
0x5c: {  	_ =	shalt  }
0x5d: {  	_ =	shalt  }
0x5e: {  	_ =	shalt  }
0x5f: {  	_ =	shalt  }
0x60: {  	_ =	shalt  }
0x61: {  	_ =	shalt  }
0x62: {  	_ =	shalt  }
0x63: {  	_ =	shalt  }
0x64: {  	_ =	shalt  }
0x65: {  	_ =	shalt  }
0x66: {  	_ =	shalt  }
0x67: {  	_ =	shalt  }
0x68: {  	_ =	shalt  }
0x69: {  	_ =	shalt  }
0x6a: {  	_ =	shalt  }
0x6b: {  	_ =	shalt  }
0x6c: {  	_ =	shalt  }
0x6d: {  	_ =	shalt  }
0x6e: {  	_ =	shalt  }
0x6f: {  	_ =	shalt  }
0x70: {  	_ =	shalt  }
0x71: {  	_ =	shalt  }
0x72: {  	_ =	shalt  }
0x73: {  	_ =	shalt  }
0x74: {  	_ =	shalt  }
0x75: {  	_ =	shalt  }
0x76: {  	_ =	shalt  }
0x77: {  	_ =	shalt  }
0x78: {  	_ =	shalt  }
0x79: {  	_ =	shalt  }
0x7a: {  	_ =	shalt  }
0x7b: {  	_ =	shalt  }
0x7c: {  	_ =	shalt  }
0x7d: {  	_ =	shalt  }
0x7e: {  	_ =	shalt  }
0x7f: {  	_ =	shalt  }
0x80: {  	_ =	shalt  }
0x81: {  	_ =	shalt  }
0x82: {  	_ =	shalt  }
0x83: {  	_ =	shalt  }
0x84: {  	_ =	shalt  }
0x85: {  	_ =	shalt  }
0x86: {  	_ =	shalt  }
0x87: {  	_ =	shalt  }
.Lfunc_end0:
.L_simem_size_0:
called_computation_lowered:
.L_overlay_start_0:
0x88: {  	s2 =	sld [smem:$0x3FD9]  }
0x89: {  	s3 =	sld [smem:$0x3FFE];
	_ =	sdelay $0x1  }
0x8a: {  	s1 =	srdreg.scid  }
0x8b: {  	s0 =	sand.u32 $0x1, s1  }
0x8c: {  	s16 =	sshll.u32 s0, $0xA;
	s2 =	sadd.s32 s3, s2  }
0x8d: {  	s2 =	sadd.s32 s2, s16  }
0x8e: {  	[smem:$0x3FC6] =	sst s2  }
0x8f: {  	_ = 	snop  }
0x90: {  	(tm) =	ssettm $0x1  }
0x91: {  	s17 =	sld [smem:$0x3FFB];
	_ =	sdelay $0x3  }
0x92: {  	_ =	strace s17  }
0x93: {  	s2 =	sld [smem:$0x3FFC];
	_ =	sdelay $0x3  }
0x94: {  	_ =	strace s2  }
0x95: {  	s2 =	sld [smem:$0x3FFD];
	_ =	sdelay $0x3  }
0x96: {  	_ =	strace s2  }
0x97: {  	_ =	strace $0x8FFFFFFF  }
0x98: {  	s18 =	sld [smem:$0x3FDB];
	_ =	sdelay $0x1  }
0x99: {  	s19 =	simm.s32 $_scs_section_size  }
0x9a: {  	s4 =	simm.s32 $_size__tile_overlayer_lowered;
	s5 =	simm.s32 $_tile_overlayer_lowered  }
0x9b: {  	s22 =	simm.s32 $0x1BFF;
	s21 =	sshll.u32 s5, $0x1;
	s2 =	sadd.s32 s19, s18  }
0x9c: {  	s6 =	simm.s32 $0x0;
	s20 =	sshll.u32 s4, $0x1;
	s4 =	sadd.s32 s21, s2  }
0x9d: {  	[timem:s6], [sflag:s22] =	dma.local [hbm:s4], s20  }
0x9e: {  	_ =	swait.ge [sflag:s22], s20  }
0x9f: {  	s3 =	ssub.s32 $0x0, s20;
	[sflag:s22] =	ssyncset.done $0x0  }
0xa0: {  	[sflag:s22] =	ssyncadd.s32 s3;
	_ =	sdelay $0x1  }
0xa1: {  	s23 =	simm.s32 $0x1B8B  }
0xa2: {  	_ =	swait.ge [sflag:s23], $0x1  }
0xa3: {  	[sflag:s23] =	ssyncset.done $0x0  }
0xa4: {  	s25 =	simm.s32 $0x1B8E;
	s24 =	sld [smem:$0x3FFE];
	[sflag:s23] =	ssyncadd.s32 $0xFFFFFFFF  }
0xa5: {  	s26 =	simm.s32 $execute0_lowered;
	[smem:$0x3FD2] =	sst s25  }
0xa6: {  	s4 =	sshll.u32 s26, $0x1;
	_ =	strace $0x80000046;
	[dreg:$0x1] =	wrdreg $0xFFFFFFFF  }
0xa7: {  	s28 =	simm.s32 $_size_execute0_lowered;
	s2 =	sadd.s32 s2, s4;
	[dreg:$0x0] =	wrdreg $0x0  }
0xa8: {  	s4 =	sshll.u32 s28, $0x1;
	[dreg:$0x2] =	wrdreg s2  }
0xa9: {  	[dreg:$0x3] =	wrdreg s4  }
0xaa: {  	[dreg:$0x4] =	wrdreg $0xC0  }
0xab: {  	_ =	task [dreg:s6], $0x5FFFF  }
0xac: {  	[dreg:$0x1] =	wrdreg $0xFFFFFFFF  }
0xad: {  	[dreg:$0x0] =	wrdreg $0x60  }
0xae: {  	[dreg:$0x2] =	wrdreg s24  }
0xaf: {  	[dreg:$0x3] =	wrdreg $0x9  }
0xb0: {  	_ =	task.clear_ibuf [dreg:s6], $0x4FFFF;
	_ =	strace $0x90000046  }
0xb1: {  	s29 =	simm.s32 $0x9;
	_ =	strace $0x80000048  }
0xb2: {  	_ =	swait.ge [sflag:s29], $0x1  }
0xb3: {  	[sflag:s29] =	ssyncadd.s32 $0xFFFFFFFF  }
0xb4: {  	_ =	strace $0x90000048  }
0xb5: {  	_ =	sfence  }
0xb6: {  	s30 =	sld [smem:$0x0];
	_ =	sdelay $0x2  }
0xb7: {  	s31 =	sshll.u32 s1, $0xD;
	s1 =	sshrl.u32 s1, $0x2  }
0xb8: {  	s3 =	sand.u32 $0x4000, s31;
	s1 =	sadd.s32 s1, s30  }
0xb9: {  	s0 =	sor.u32 s3, s0;
	s1 =	sshll.u32 s1, $0x11  }
0xba: {  	s0 =	sor.u32 s1, s0  }
0xbb: {  	s0 =	sadd.s32 $0x8F2B, s0  }
0xbc: {  	[sflag:s0] =	ssyncadd.remote.s32 $0x1  }
0xbd: {  	_ =	sfence.sel $0xFFFF  }
0xbe: {  	[dreg:$0x0] =	wrdreg $0xFFFFFFFF;
	(pc) =	sbr.abs _section_cstart, $3  }
0xbf: {  	[dreg:$0x1] =	wrdreg $0xFFFFFFFF  }
0xc0: {  	_ =	task.clear_ibuf [dreg:s6], $0x2FFFF;
	_ =	strace $0x9FFFFFFF  }
0xc1: {  	(tm) =	ssettm $0x7FFFFFFF  }
tec
execute0_lowered:
.L_overlay_start_1:
0x0: {  	(tag) =	ssettag $0x1  }
0x1: {  	s1 =	srdreg.scid;
	s0 =	stileid.u32  }
0x2: {  	s12 =	rddreg [dreg:$0x0];
	s14 =	sand.u32 $0x1, s1;
	s3 =	sshll.u32 s0, $0x1  }
0x3: {  	s2 =	simm.s32 $0x0;
	s1 =	rddreg [dreg:$0x1];
	s13 =	sor.u32 s14, s3  }
0x4: {  	[smem:$0x7FF] =	sst s2;
	s3 =	sshll.u32 s13, $0x3  }
0x5: {  	_ =	strace $0x80000047;
	s5 =	sshll.u32 s13, $0x6;
	s3 =	sadd.s32 s3, s12  }
0x6: {  	s6 =	sor.u32 $0x10, s5;
	s4 =	sadd.s32 $0x7D0A00, s3;
	s3 =	simm.s32 $0x2  }
0x7: {  	v0 =	vmov s5;
	[tilespmem:s2], [sflag:$0x2] =	stream.linear.gather [hbm4b:s4+s2], $0x40, $0x38;
	[tilespmem:$0x300] =	vst v63  }
0x8: {  	v2 =	vlaneseq.u32;
	s31 =	sor.u32 $0x20, s5;
	v0 =	vmul.u32 $0x7D00, v0;
	v1 =	vmov s6;
	_ =	swait.ge [sflag:s3], $0x40  }
0x9: {  	v4 =	vmul.u32 $0x7D00, v2;
	s5 =	sor.u32 $0x30, s5;
	v3 =	vmov s31;
	v1 =	vmul.u32 $0x7D00, v1;
	[sflag:s3] =	ssyncset.done $0x0  }
0xa: {  	v2 =	vmul.u32 $0x7D00, v3;
	v3 =	vmov s5;
	v0 =	vbroadcast v0, $0x0;
	[sflag:s3] =	ssyncadd.s32 $0xFFFFFFC0  }
0xb: {  	v3 =	vmul.u32 $0x7D00, v3;
	v1 =	vbroadcast v1, $0x0;
	v5 =	vld [tilespmem:$0x30]  }
0xc: {  	v2 =	vbroadcast v2, $0x0;
	v0 =	vadd.s32 v4, v0;
	v6 =	vld [tilespmem:$0x0]  }
0xd: {  	v3 =	vbroadcast v3, $0x0;
	v1 =	vadd.s32 v4, v1;
	[tilespmem:$0x100] =	vst v0;
	v7 =	vld [tilespmem:$0x20]  }
0xe: {  	v2 =	vadd.s32 v4, v2;
	v8 =	vld [tilespmem:$0x10];
	[tilespmem:$0x110] =	vst v1  }
0xf: {  	v3 =	vadd.s32 v4, v3;
	[tilespmem:$0x120] =	vst v2  }
0x10: {  	[tilespmem:$0x130] =	vst v3;
	v4 =	vadd.s32 v3, v5  }
0x11: {  	v5 =	vadd.s32 v0, v6;
	[tilespmem:$0xB0] =	vst v4  }
0x12: {  	[tilespmem:$0x80] =	vst v5;
	v4 =	vadd.s32 v2, v7  }
0x13: {  	s7 =	simm.s32 $0x80;
	v5 =	vadd.s32 v1, v8;
	[tilespmem:$0xA0] =	vst v4  }
0x14: {  	s8 =	simm.s32 $0x180;
	s6 =	simm.s32 $0x40;
	s5 =	sadd.s32 $0xA00, s12;
	[tilespmem:$0x90] =	vst v5  }
0x15: {  	[tilespmem:s8], [sflag:$0x1] =	stream.indirect.gather [hbm4b:s5+s6], $0x1, s7, s6, $0xb8;
	[tilespmem:$0x300] =	vst v63  }
0x16: {  	s9 =	simm.s32 $0x100;
	s10 =	simm.s32 $0x200;
	s11 =	simm.s32 $0x1  }
0x17: {  	[tilespmem:s10], [sflag:$0x1] =	stream.indirect.gather [hbm4b:s5+s6], $0x1, s9, s6, $0xb8;
	[tilespmem:$0x300] =	vst v63  }
0x18: {  	_ =	swait.ge [sflag:s11], $0x40  }
0x19: {  	[sflag:s11] =	ssyncset.done $0x0  }
0x1a: {  	[sflag:s11] =	ssyncadd.s32 $0xFFFFFFC0  }
0x1b: {  	_ =	swait.ge [sflag:s11], $0x40  }
0x1c: {  	[sflag:s11] =	ssyncset.done $0x0  }
0x1d: {  	[sflag:s11] =	ssyncadd.s32 $0xFFFFFFC0  }
0x1e: {  	v5 =	vld [tilespmem:$0x190]  }
0x1f: {  	v6 =	vld [tilespmem:$0x180]  }
0x20: {  	v7 =	vld [tilespmem:$0x200]  }
0x21: {  	v8 =	vld [tilespmem:$0x210]  }
0x22: {  	v9 =	vld [tilespmem:$0x220]  }
0x23: {  	s14 =	ssub.s32 $0x2, s14;
	v10 =	vld [tilespmem:$0x1A0]  }
0x24: {  	s15 =	sshrl.u32 s14, $0x1;
	v4 =	vimm.f32 $0.0e+00;
	v11 =	vld [tilespmem:$0x0]  }
0x25: {  	s14 =	ssub.s32 s14, s15;
	[tilespmem:$0x290] =	vst v4;
	v12 =	vld [tilespmem:$0x230];
	v7 =	vmul.f32 $3.125195240e-06, v7  }
0x26: {  	s14 =	smax.u32 s14, $0x1;
	[tilespmem:$0x2A0] =	vst v4;
	v13 =	vld [tilespmem:$0x10];
	v8 =	vmul.f32 $3.125195240e-06, v8  }
0x27: {  	p0 =	sne.s32 s14, $0x1;
	v6 =	vmul.f32 $8.999968760e-01, v6;
	v9 =	vmul.f32 $3.125195240e-06, v9;
	v7 =	vadd.f32 $-1.362425800e+00, v7  }
.Ltmp0:
0x28: {  	[tilespmem:$0x2B0] =	vst v4;
	v14 =	vmul.f32 $8.999968760e-01, v5;
	v5 =	vld [tilespmem:$0x1B0];
	(pc) =	sbr.rel @!p0 .LBB2_2-.Ltmp0, $4  }
0x29: {  	[tilespmem:$0x2C0] =	vst v4;
	v8 =	vadd.f32 $-1.362425800e+00, v8;
	v15 =	vsub.f32 v7, v6;
	v6 =	vld [tilespmem:$0x20]  }
0x2a: {  	s13 =	sshll.u32 s13, $0x4;
	[tilespmem:$0x2D0] =	vst v4;
	v10 =	vmul.f32 $8.999968760e-01, v10;
	v16 =	vadd.f32 $-1.362425800e+00, v9  }
0x2b: {  	s12 =	sadd.s32 s13, s12;
	[tilespmem:$0x2E0] =	vst v4;
	vm0 =	veq.s32 v11, $0x0;
	v9 =	vmul.f32 $3.125195240e-06, v12;
	v8 =	vsub.f32 v8, v14;
	v7 =	vld [tilespmem:$0x30]  }
0x2c: {  	s13 =	simm.s32 $0x280;
	s14 =	sadd.s32 $0xFFFFFFFF, s14;
	s12 =	sadd.s32 $0x7D0C00, s12;
	[tilespmem:$0x2F0] =	vst v4;
	v10 =	vsub.f32 v16, v10;
	v11 =	vsel vm0, $0x0, v15;
	vm0 =	veq.s32 v13, $0x0  }
.LBB2_1:
0x2d: {  	p0 =	sne.s32 s14, $0x1;
	s14 =	sadd.s32 $0xFFFFFFFF, s14;
	v8 =	vsel vm0, $0x0, v8;
	v9 =	vadd.f32 $-1.362425800e+00, v9;
	v5 =	vmul.f32 $8.999968760e-01, v5  }
0x2e: {  	v8 =	vadd.f32 v8, v11;
	vm0 =	veq.s32 v6, $0x0  }
0x2f: {  	v6 =	vsel vm0, $0x0, v10;
	v5 =	vsub.f32 v9, v5  }
0x30: {  	vm0 =	veq.s32 v7, $0x0;
	v6 =	vadd.f32 v6, v8  }
0x31: {  	v5 =	vsel vm0, $0x0, v5  }
0x32: {  	v5 =	vadd.f32 v5, v6;
	_ =	sdelay $0x1  }
0x33: {  	[tilespmem:$0x280] =	vst v5  }
0x34: {  	[hbm4b:s12+s2] =	stream.linear.scatter [tilespmem:s13], [sflag:$0x2], $0x80, $0x38;
	[tilespmem:$0x300] =	vst v63  }
0x35: {  	_ =	swait.ge [sflag:s3], $0x80  }
0x36: {  	[sflag:s3] =	ssyncset.done $0x0  }
0x37: {  	[sflag:s3] =	ssyncadd.s32 $0xFFFFFF80  }
0x38: {  	[tilespmem:s2], [sflag:$0x2] =	stream.linear.gather [hbm4b:s4+s2], $0x40, $0x38;
	[tilespmem:$0x300] =	vst v63  }
0x39: {  	_ =	swait.ge [sflag:s3], $0x40  }
0x3a: {  	[sflag:s3] =	ssyncset.done $0x0  }
0x3b: {  	[sflag:s3] =	ssyncadd.s32 $0xFFFFFFC0  }
0x3c: {  	[tilespmem:$0x100] =	vst v0;
	v5 =	vld [tilespmem:$0x30]  }
0x3d: {  	v6 =	vld [tilespmem:$0x0];
	[tilespmem:$0x110] =	vst v1  }
0x3e: {  	v7 =	vld [tilespmem:$0x20];
	[tilespmem:$0x120] =	vst v2  }
0x3f: {  	v8 =	vld [tilespmem:$0x10];
	[tilespmem:$0x130] =	vst v3;
	_ =	sdelay $0x1  }
0x40: {  	v5 =	vadd.s32 v3, v5  }
0x41: {  	v6 =	vadd.s32 v0, v6;
	[tilespmem:$0xB0] =	vst v5  }
0x42: {  	[tilespmem:$0x80] =	vst v6;
	v5 =	vadd.s32 v2, v7  }
0x43: {  	v6 =	vadd.s32 v1, v8;
	[tilespmem:$0xA0] =	vst v5  }
0x44: {  	[tilespmem:$0x90] =	vst v6  }
0x45: {  	[tilespmem:s8], [sflag:$0x1] =	stream.indirect.gather [hbm4b:s5+s6], $0x1, s7, s6, $0xb8;
	[tilespmem:$0x300] =	vst v63  }
0x46: {  	_ = 	snop  }
0x47: {  	[tilespmem:s10], [sflag:$0x1] =	stream.indirect.gather [hbm4b:s5+s6], $0x1, s9, s6, $0xb8;
	[tilespmem:$0x300] =	vst v63  }
0x48: {  	_ =	swait.ge [sflag:s11], $0x40  }
0x49: {  	[sflag:s11] =	ssyncset.done $0x0  }
0x4a: {  	[sflag:s11] =	ssyncadd.s32 $0xFFFFFFC0  }
0x4b: {  	_ =	swait.ge [sflag:s11], $0x40  }
0x4c: {  	[sflag:s11] =	ssyncset.done $0x0  }
0x4d: {  	[sflag:s11] =	ssyncadd.s32 $0xFFFFFFC0  }
0x4e: {  	v5 =	vld [tilespmem:$0x190];
	[tilespmem:$0x290] =	vst v4  }
0x4f: {  	v6 =	vld [tilespmem:$0x180];
	[tilespmem:$0x2A0] =	vst v4  }
0x50: {  	v7 =	vld [tilespmem:$0x200];
	[tilespmem:$0x2B0] =	vst v4  }
0x51: {  	v8 =	vld [tilespmem:$0x210];
	[tilespmem:$0x2C0] =	vst v4  }
0x52: {  	v9 =	vld [tilespmem:$0x220];
	[tilespmem:$0x2D0] =	vst v4  }
0x53: {  	v10 =	vld [tilespmem:$0x1A0];
	[tilespmem:$0x2E0] =	vst v4  }
0x54: {  	v11 =	vld [tilespmem:$0x0];
	[tilespmem:$0x2F0] =	vst v4  }
0x55: {  	v12 =	vmul.f32 $8.999968760e-01, v6;
	v7 =	vmul.f32 $3.125195240e-06, v7;
	v13 =	vld [tilespmem:$0x230]  }
0x56: {  	v14 =	vld [tilespmem:$0x10]  }
0x57: {  	v6 =	vmul.f32 $3.125195240e-06, v8;
	v8 =	vmul.f32 $8.999968760e-01, v5;
	v7 =	vadd.f32 $-1.362425800e+00, v7  }
.Ltmp1:
0x58: {  	v9 =	vmul.f32 $3.125195240e-06, v9;
	v5 =	vld [tilespmem:$0x1B0];
	(pc) =	sbr.rel @p0 .LBB2_1-.Ltmp1, $4  }
0x59: {  	v15 =	vadd.f32 $-1.362425800e+00, v6;
	v6 =	vld [tilespmem:$0x20]  }
0x5a: {  	v10 =	vmul.f32 $8.999968760e-01, v10;
	v12 =	vsub.f32 v7, v12;
	v16 =	vadd.f32 $-1.362425800e+00, v9;
	v7 =	vld [tilespmem:$0x30]  }
0x5b: {  	vm0 =	veq.s32 v11, $0x0;
	v8 =	vsub.f32 v15, v8;
	v9 =	vmul.f32 $3.125195240e-06, v13  }
0x5c: {  	v11 =	vsel vm0, $0x0, v12;
	vm0 =	veq.s32 v14, $0x0;
	v10 =	vsub.f32 v16, v10  }
.LBB2_2:
0x5d: {  	v0 =	vsel vm0, $0x0, v8;
	v1 =	vadd.f32 $-1.362425800e+00, v9;
	v2 =	vmul.f32 $8.999968760e-01, v5  }
0x5e: {  	v0 =	vadd.f32 v0, v11;
	vm14 =	veq.s32 v6, $0x0  }
0x5f: {  	v3 =	vsel vm14, $0x0, v10;
	v1 =	vsub.f32 v1, v2  }
0x60: {  	v0 =	vadd.f32 v3, v0;
	vm15 =	veq.s32 v7, $0x0  }
0x61: {  	v1 =	vsel vm15, $0x0, v1  }
0x62: {  	v0 =	vadd.f32 v1, v0;
	_ =	sdelay $0x1  }
0x63: {  	[tilespmem:$0x280] =	vst v0  }
0x64: {  	[hbm4b:s12+s2] =	stream.linear.scatter [tilespmem:s13], [sflag:$0x2], $0x80, $0x38;
	[tilespmem:$0x300] =	vst v63  }
0x65: {  	_ =	swait.ge [sflag:s3], $0x80  }
0x66: {  	[sflag:s3] =	ssyncset.done $0x0  }
0x67: {  	[sflag:s3] =	ssyncadd.s32 $0xFFFFFF80  }
0x68: {  	_ =	sfence.sel $0x180000  }
0x69: {  	[bflag:$0x0] =	sbarrier.arrive $0xFFFF  }
0x6a: {  	p0 =	sne.s32 s0, $0x0;
	_ =	strace $0x90000047  }
0x6b: {  	s0 =	sadd.s32 @!p0 $0x100000, s1;
	[bflag:$0x2] =	sbarrier.arrive $0xFFFF  }
0x6c: {  	[sflag:s0] =	ssyncadd.tile.s32 @!p0 $0x1;
	_ =	shalt  }
.Lfunc_end2:
_tile_overlayer_lowered:
.L_overlay_start_2:
0x6d: {  	(tag) =	ssettag $0x2  }
0x6e: {  	s0 =	rddreg [dreg:$0x0];
	s2 =	stileid.u32  }
0x6f: {  	s1 =	rddreg [dreg:$0x1];
	p0 =	sne.s32 s2, $0x0  }
0x70: {  	s3 =	rddreg [dreg:$0x2];
	[bflag:$0x3] =	sbarrier.arrive $0xFFFF;
	s2 =	simm.s32 @!p0 $0x1C02  }
0x71: {  	[timem:s3], [sflag:s2] =	dma.local @!p0 [hbm:s0], s1  }
0x72: {  	s0 =	simm.s32 @!p0 $0x2  }
0x73: {  	_ =	swait.ge @!p0 [sflag:s0], s1  }
0x74: {  	s1 =	ssub.s32 @!p0 $0x0, s1;
	[sflag:s0] =	ssyncset.done @!p0 $0x0  }
0x75: {  	[sflag:s0] =	ssyncadd.s32 @!p0 s1  }
0x76: {  	[bflag:$0x3] =	sbarrier.arrive $0xFFFF  }
0x77: {  	_ =	shalt  }

</sc_bundles>
